<compile_context>
chip_gen: v7x
topology: tpu7x:2x2x1
jax: 0.10.2.dev20260603
libtpu: 0.0.44.dev20260713+nightly
codegen_flags: <defaults>
</compile_context>

<pallas_src>
import jax
import jax.numpy as jnp
from jax import lax
from jax.experimental import pallas as pl
from jax.experimental.pallas import tpu as pltpu
from jax.experimental.pallas import tpu_sc as plsc

HEAD_DIM = 64
Q_LEN = 32
K_LEN = 8192
WIN = 544
TAIL = K_LEN - WIN
PAD_ROWS = 1056
TAB_BASE = 480
TAB_ROWS = PAD_ROWS - TAB_BASE


def _sc_head_body(padded_hbm, head_hbm, col_hbm, tab_shared):
    c = lax.axis_index("c")
    s = lax.axis_index("s")
    q = s * 2 + c

    @pl.when(s == 0)
    def _():
        pltpu.sync_copy(padded_hbm.at[pl.ds(TAB_BASE, TAB_ROWS)], tab_shared)

    plsc.subcore_barrier()
    pltpu.sync_copy(tab_shared.at[pl.ds(512 - TAB_BASE - q, WIN)],
                    head_hbm.at[q])

    @pl.when(q == 0)
    def _():
        pltpu.sync_copy(tab_shared.at[pl.ds(544, 8)], col_hbm)


QB = 4


def _tc_assemble_body(head_ref, col_ref, out_ref):
    colv = jnp.swapaxes(col_ref[0:1, :], 0, 1)
    for i in range(QB):
        out_ref[i, :, :] = jnp.broadcast_to(colv, (HEAD_DIM, K_LEN))
        out_ref[i, :, 0:WIN] = jnp.swapaxes(head_ref[i], 0, 1)


def kernel(query_len, key_len, pos_embed):
    del query_len, key_len
    pad = jnp.broadcast_to(pos_embed[-1], (PAD_ROWS - 1025, HEAD_DIM))
    padded = jnp.concatenate([pos_embed, pad], axis=0)

    mesh = plsc.VectorSubcoreMesh(core_axis_name="c", subcore_axis_name="s")
    head_fn = pl.kernel(
        _sc_head_body,
        out_type=(
            jax.ShapeDtypeStruct((Q_LEN, WIN, HEAD_DIM), jnp.float32),
            jax.ShapeDtypeStruct((8, HEAD_DIM), jnp.float32),
        ),
        mesh=mesh,
        scratch_types=[
            pltpu.VMEM_SHARED((TAB_ROWS, HEAD_DIM), jnp.float32),
        ],
    )
    head, col = head_fn(padded)

    out_t = pl.pallas_call(
        _tc_assemble_body,
        grid=(Q_LEN // QB,),
        out_shape=jax.ShapeDtypeStruct((Q_LEN, HEAD_DIM, K_LEN), jnp.float32),
        in_specs=[
            pl.BlockSpec((QB, WIN, HEAD_DIM), lambda q: (q, 0, 0)),
            pl.BlockSpec((8, HEAD_DIM), lambda q: (0, 0)),
        ],
        out_specs=pl.BlockSpec((QB, HEAD_DIM, K_LEN), lambda q: (q, 0, 0)),
    )(head, col)
    return jnp.transpose(out_t, (0, 2, 1))

# --- scband reference (transcript-rebuilt; emitter-appended) ---
"""Pipeline reference for scband-relative-positional-embedding-45621142618788 (READ-ONLY COPY).

The authoritative reference and input builder live on the scoring server;
editing this copy changes nothing except your own understanding.
"""

import jax, jax.numpy as jnp
import numpy as np

HEAD_DIM = 64
MAX_POSITION = 512

def setup_inputs(seed: int = 0) -> dict:
    key = jax.random.key(seed)
    fan_in = MAX_POSITION * 2 + 1
    fan_out = HEAD_DIM
    limit = float(np.sqrt(6.0 / (fan_in + fan_out)))
    pos_embed = jax.random.uniform(key, (MAX_POSITION * 2 + 1, HEAD_DIM), dtype=jnp.float32, minval=-limit, maxval=limit)
    return {"query_len": 32, "key_len": 8192, "pos_embed": pos_embed}

def reference(query_len, key_len, pos_embed):
    query_range = jnp.arange(32) + query_len * 0
    key_range = jnp.arange(8192) + key_len * 0
    relative_matrix = key_range[None, :] - query_range[:, None]
    clipped_relative_matrix = jnp.clip(relative_matrix, -MAX_POSITION, MAX_POSITION)
    relative_matrix = clipped_relative_matrix + MAX_POSITION
    return jnp.take(pos_embed, relative_matrix, axis=0)

if __name__ == "__main__":
    import jax
    _d = setup_inputs()
    print(jax.jit(kernel)(*tuple(_d.values())))

</pallas_src>

<mosaic_0001>
#map = affine_map<(d0, d1) -> (0, 0)>
#map1 = affine_map<(d0, d1) -> (0, 0, 0)>
module attributes {stable_mosaic.version = 14 : i64} {
  func.func @_sc_head_body(%arg0: i32, %arg1: i32, %arg2: memref<1056x64xf32, #tpu.memory_space<hbm>>, %arg3: memref<32x544x64xf32, #tpu.memory_space<hbm>>, %arg4: memref<8x64xf32, #tpu.memory_space<hbm>>, %arg5: memref<576x64xf32, #tpu.memory_space<vmem_shared>>) attributes {dimension_semantics = [#tpu.dimension_semantics<core_parallel>, #tpu.dimension_semantics<subcore_parallel>], iteration_bounds = array<i64: 2, 16>, scalar_prefetch = 0 : i64, scratch_operands = 1 : i64, tpu.core_type = #tpu.core_type<sc_vector_subcore>, window_params = [{transform_indices = #map}, {transform_indices = #map1}, {transform_indices = #map}]} {
    %mul3A = arith.constant 2 : i32
    %mul3A_0 = arith.muli %arg1, %mul3A : i32
    %add3A = arith.addi %mul3A_0, %arg0 : i32
    %eq3A = arith.constant 0 : i32
    %eq3A_1 = arith.cmpi eq, %arg1, %eq3A : i32
    %convert_element_type3A = arith.extui %eq3A_1 : i1 to i32
    %cond3A = arith.constant 0 : i32
    %cond3A_2 = arith.cmpi ne, %convert_element_type3A, %cond3A : i32
    scf.if %cond3A_2 {
      "tpu.region"() ({
        %run_scoped3A = tpu.sem_alloc : memref<!tpu.dma_semaphore, #tpu.memory_space<semaphore_mem>>
        %dma_start3A = arith.constant 480 : i32
        %dma_start3A_9 = arith.constant 0 : i32
        %dma_start3A_10 = tpu.memref_slice %arg2[%dma_start3A, %dma_start3A_9] : memref<1056x64xf32, #tpu.memory_space<hbm>> -> memref<576x64xf32, #tpu.memory_space<hbm>>
        tpu.enqueue_dma source(%dma_start3A_10 : memref<576x64xf32, #tpu.memory_space<hbm>>) target(%arg5 : memref<576x64xf32, #tpu.memory_space<vmem_shared>>) target_semaphore(%run_scoped3A : memref<!tpu.dma_semaphore, #tpu.memory_space<semaphore_mem>>)
        %dma_wait3A = arith.constant 480 : i32
        %dma_wait3A_11 = arith.constant 0 : i32
        %dma_wait3A_12 = tpu.memref_slice %arg2[%dma_wait3A, %dma_wait3A_11] : memref<1056x64xf32, #tpu.memory_space<hbm>> -> memref<576x64xf32, #tpu.memory_space<hbm>>
        tpu.wait_dma2 semaphore(%run_scoped3A : memref<!tpu.dma_semaphore, #tpu.memory_space<semaphore_mem>>) src(%dma_wait3A_12 : memref<576x64xf32, #tpu.memory_space<hbm>>) dst(%arg5 : memref<576x64xf32, #tpu.memory_space<vmem_shared>>)
        tpu.yield
      }) : () -> ()
    } else {
    }
    %barrier3A = arith.constant 0 : index
    tpu.barrier barrier_id(%barrier3A)
    %sub3A = arith.constant 32 : i32
    %sub3A_3 = arith.subi %sub3A, %add3A : i32
    "tpu.region"() ({
      %run_scoped3A = tpu.sem_alloc : memref<!tpu.dma_semaphore, #tpu.memory_space<semaphore_mem>>
      %dma_start3A = arith.constant 0 : i32
      %dma_start3A_9 = arith.constant 0 : i32
      %dma_start3A_10 = tpu.memref_slice %arg3[%add3A, %dma_start3A, %dma_start3A_9] : memref<32x544x64xf32, #tpu.memory_space<hbm>> -> memref<1x544x64xf32, #tpu.memory_space<hbm>>
      %dma_start3A_11 = tpu.memref_squeeze %dma_start3A_10 : memref<1x544x64xf32, #tpu.memory_space<hbm>> -> memref<544x64xf32, #tpu.memory_space<hbm>>
      %dma_start3A_12 = arith.constant 0 : i32
      %dma_start3A_13 = tpu.memref_slice %arg5[%sub3A_3, %dma_start3A_12] : memref<576x64xf32, #tpu.memory_space<vmem_shared>> -> memref<544x64xf32, #tpu.memory_space<vmem_shared>>
      tpu.enqueue_dma source(%dma_start3A_13 : memref<544x64xf32, #tpu.memory_space<vmem_shared>>) target(%dma_start3A_11 : memref<544x64xf32, #tpu.memory_space<hbm>>) target_semaphore(%run_scoped3A : memref<!tpu.dma_semaphore, #tpu.memory_space<semaphore_mem>>)
      %dma_wait3A = arith.constant 0 : i32
      %dma_wait3A_14 = arith.constant 0 : i32
      %dma_wait3A_15 = tpu.memref_slice %arg3[%add3A, %dma_wait3A, %dma_wait3A_14] : memref<32x544x64xf32, #tpu.memory_space<hbm>> -> memref<1x544x64xf32, #tpu.memory_space<hbm>>
      %dma_wait3A_16 = tpu.memref_squeeze %dma_wait3A_15 : memref<1x544x64xf32, #tpu.memory_space<hbm>> -> memref<544x64xf32, #tpu.memory_space<hbm>>
      %dma_wait3A_17 = arith.constant 0 : i32
      %dma_wait3A_18 = tpu.memref_slice %arg5[%sub3A_3, %dma_wait3A_17] : memref<576x64xf32, #tpu.memory_space<vmem_shared>> -> memref<544x64xf32, #tpu.memory_space<vmem_shared>>
      tpu.wait_dma2 semaphore(%run_scoped3A : memref<!tpu.dma_semaphore, #tpu.memory_space<semaphore_mem>>) src(%dma_wait3A_18 : memref<544x64xf32, #tpu.memory_space<vmem_shared>>) dst(%dma_wait3A_16 : memref<544x64xf32, #tpu.memory_space<hbm>>)
      tpu.yield
    }) : () -> ()
    %eq3A_4 = arith.constant 0 : i32
    %eq3A_5 = arith.cmpi eq, %add3A, %eq3A_4 : i32
    %convert_element_type3A_6 = arith.extui %eq3A_5 : i1 to i32
    %cond3A_7 = arith.constant 0 : i32
    %cond3A_8 = arith.cmpi ne, %convert_element_type3A_6, %cond3A_7 : i32
    scf.if %cond3A_8 {
      "tpu.region"() ({
        %run_scoped3A = tpu.sem_alloc : memref<!tpu.dma_semaphore, #tpu.memory_space<semaphore_mem>>
        %dma_start3A = arith.constant 544 : i32
        %dma_start3A_9 = arith.constant 0 : i32
        %dma_start3A_10 = tpu.memref_slice %arg5[%dma_start3A, %dma_start3A_9] : memref<576x64xf32, #tpu.memory_space<vmem_shared>> -> memref<8x64xf32, #tpu.memory_space<vmem_shared>>
        tpu.enqueue_dma source(%dma_start3A_10 : memref<8x64xf32, #tpu.memory_space<vmem_shared>>) target(%arg4 : memref<8x64xf32, #tpu.memory_space<hbm>>) target_semaphore(%run_scoped3A : memref<!tpu.dma_semaphore, #tpu.memory_space<semaphore_mem>>)
        %dma_wait3A = arith.constant 544 : i32
        %dma_wait3A_11 = arith.constant 0 : i32
        %dma_wait3A_12 = tpu.memref_slice %arg5[%dma_wait3A, %dma_wait3A_11] : memref<576x64xf32, #tpu.memory_space<vmem_shared>> -> memref<8x64xf32, #tpu.memory_space<vmem_shared>>
        tpu.wait_dma2 semaphore(%run_scoped3A : memref<!tpu.dma_semaphore, #tpu.memory_space<semaphore_mem>>) src(%dma_wait3A_12 : memref<8x64xf32, #tpu.memory_space<vmem_shared>>) dst(%arg4 : memref<8x64xf32, #tpu.memory_space<hbm>>)
        tpu.yield
      }) : () -> ()
    } else {
    }
    return
  }
}

module attributes {stable_mosaic.version = 14 : i64} {
  func.func @_tc_assemble_body(%arg0: i32, %arg1: memref<4x544x64xf32, #tpu.memory_space<vmem>>, %arg2: memref<8x64xf32, #tpu.memory_space<vmem>>, %arg3: memref<4x64x8192xf32, #tpu.memory_space<vmem>>) attributes {dimension_semantics = [#tpu.dimension_semantics<arbitrary>], iteration_bounds = array<i64: 8>, scalar_prefetch = 0 : i64, scratch_operands = 0 : i64, tpu.core_type = #tpu.core_type<tc>, window_params = [{transform_indices = @transform_0, window_bounds = array<i64: 4, 544, 64>}, {pipeline_mode = #tpu.pipeline_mode<synchronous>, transform_indices = @transform_1, window_bounds = array<i64: 8, 64>}, {transform_indices = @transform_2, window_bounds = array<i64: 4, 64, 8192>}]} {
    %get3A = arith.constant 0 : index
    %get3A_0 = arith.constant 0 : index
    %get3A_1 = vector.load %arg2[%get3A, %get3A_0] : memref<8x64xf32, #tpu.memory_space<vmem>>, vector<1x64xf32>
    %transpose3A = tpu.transpose %get3A_1, [1, 0] : vector<1x64xf32> -> vector<64x1xf32>
    %broadcast_in_dim3A = vector.shape_cast %transpose3A : vector<64x1xf32> to vector<64x1xf32>
    %broadcast_in_dim3A_2 = vector.broadcast %broadcast_in_dim3A : vector<64x1xf32> to vector<64x8192xf32>
    %swap3A = arith.constant 0 : index
    %swap3A_3 = arith.constant 0 : index
    %swap3A_4 = arith.constant 0 : index
    %swap3A_5 = vector.load %arg3[%swap3A, %swap3A_3, %swap3A_4] : memref<4x64x8192xf32, #tpu.memory_space<vmem>>, vector<1x64x8192xf32>
    %swap3A_6 = vector.shape_cast %swap3A_5 : vector<1x64x8192xf32> to vector<64x8192xf32>
    %swap3A_7 = vector.shape_cast %broadcast_in_dim3A_2 : vector<64x8192xf32> to vector<1x64x8192xf32>
    tpu.vector_store %arg3[%swap3A, %swap3A_3, %swap3A_4], %swap3A_7 {strides = array<i32>} : memref<4x64x8192xf32, #tpu.memory_space<vmem>>, vector<1x64x8192xf32>,
    %get3A_8 = arith.constant 0 : index
    %get3A_9 = arith.constant 0 : index
    %get3A_10 = arith.constant 0 : index
    %get3A_11 = vector.load %arg1[%get3A_8, %get3A_9, %get3A_10] : memref<4x544x64xf32, #tpu.memory_space<vmem>>, vector<1x544x64xf32>
    %get3A_12 = vector.shape_cast %get3A_11 : vector<1x544x64xf32> to vector<544x64xf32>
    %transpose3A_13 = tpu.transpose %get3A_12, [1, 0] : vector<544x64xf32> -> vector<64x544xf32>
    %swap3A_14 = arith.constant 0 : index
    %swap3A_15 = arith.constant 0 : index
    %swap3A_16 = arith.constant 0 : index
    %swap3A_17 = vector.load %arg3[%swap3A_14, %swap3A_15, %swap3A_16] : memref<4x64x8192xf32, #tpu.memory_space<vmem>>, vector<1x64x544xf32>
    %swap3A_18 = vector.shape_cast %swap3A_17 : vector<1x64x544xf32> to vector<64x544xf32>
    %swap3A_19 = vector.shape_cast %transpose3A_13 : vector<64x544xf32> to vector<1x64x544xf32>
    tpu.vector_store %arg3[%swap3A_14, %swap3A_15, %swap3A_16], %swap3A_19 {strides = array<i32>} : memref<4x64x8192xf32, #tpu.memory_space<vmem>>, vector<1x64x544xf32>,
    %broadcast_in_dim3A_20 = vector.shape_cast %transpose3A : vector<64x1xf32> to vector<64x1xf32>
    %broadcast_in_dim3A_21 = vector.broadcast %broadcast_in_dim3A_20 : vector<64x1xf32> to vector<64x8192xf32>
    %swap3A_22 = arith.constant 1 : index
    %swap3A_23 = arith.constant 0 : index
    %swap3A_24 = arith.constant 0 : index
    %swap3A_25 = vector.load %arg3[%swap3A_22, %swap3A_23, %swap3A_24] : memref<4x64x8192xf32, #tpu.memory_space<vmem>>, vector<1x64x8192xf32>
    %swap3A_26 = vector.shape_cast %swap3A_25 : vector<1x64x8192xf32> to vector<64x8192xf32>
    %swap3A_27 = vector.shape_cast %broadcast_in_dim3A_21 : vector<64x8192xf32> to vector<1x64x8192xf32>
    tpu.vector_store %arg3[%swap3A_22, %swap3A_23, %swap3A_24], %swap3A_27 {strides = array<i32>} : memref<4x64x8192xf32, #tpu.memory_space<vmem>>, vector<1x64x8192xf32>,
    %get3A_28 = arith.constant 1 : index
    %get3A_29 = arith.constant 0 : index
    %get3A_30 = arith.constant 0 : index
    %get3A_31 = vector.load %arg1[%get3A_28, %get3A_29, %get3A_30] : memref<4x544x64xf32, #tpu.memory_space<vmem>>, vector<1x544x64xf32>
    %get3A_32 = vector.shape_cast %get3A_31 : vector<1x544x64xf32> to vector<544x64xf32>
    %transpose3A_33 = tpu.transpose %get3A_32, [1, 0] : vector<544x64xf32> -> vector<64x544xf32>
    %swap3A_34 = arith.constant 1 : index
    %swap3A_35 = arith.constant 0 : index
    %swap3A_36 = arith.constant 0 : index
    %swap3A_37 = vector.load %arg3[%swap3A_34, %swap3A_35, %swap3A_36] : memref<4x64x8192xf32, #tpu.memory_space<vmem>>, vector<1x64x544xf32>
    %swap3A_38 = vector.shape_cast %swap3A_37 : vector<1x64x544xf32> to vector<64x544xf32>
    %swap3A_39 = vector.shape_cast %transpose3A_33 : vector<64x544xf32> to vector<1x64x544xf32>
    tpu.vector_store %arg3[%swap3A_34, %swap3A_35, %swap3A_36], %swap3A_39 {strides = array<i32>} : memref<4x64x8192xf32, #tpu.memory_space<vmem>>, vector<1x64x544xf32>,
    %broadcast_in_dim3A_40 = vector.shape_cast %transpose3A : vector<64x1xf32> to vector<64x1xf32>
    %broadcast_in_dim3A_41 = vector.broadcast %broadcast_in_dim3A_40 : vector<64x1xf32> to vector<64x8192xf32>
    %swap3A_42 = arith.constant 2 : index
    %swap3A_43 = arith.constant 0 : index
    %swap3A_44 = arith.constant 0 : index
    %swap3A_45 = vector.load %arg3[%swap3A_42, %swap3A_43, %swap3A_44] : memref<4x64x8192xf32, #tpu.memory_space<vmem>>, vector<1x64x8192xf32>
    %swap3A_46 = vector.shape_cast %swap3A_45 : vector<1x64x8192xf32> to vector<64x8192xf32>
    %swap3A_47 = vector.shape_cast %broadcast_in_dim3A_41 : vector<64x8192xf32> to vector<1x64x8192xf32>
    tpu.vector_store %arg3[%swap3A_42, %swap3A_43, %swap3A_44], %swap3A_47 {strides = array<i32>} : memref<4x64x8192xf32, #tpu.memory_space<vmem>>, vector<1x64x8192xf32>,
    %get3A_48 = arith.constant 2 : index
    %get3A_49 = arith.constant 0 : index
    %get3A_50 = arith.constant 0 : index
    %get3A_51 = vector.load %arg1[%get3A_48, %get3A_49, %get3A_50] : memref<4x544x64xf32, #tpu.memory_space<vmem>>, vector<1x544x64xf32>
    %get3A_52 = vector.shape_cast %get3A_51 : vector<1x544x64xf32> to vector<544x64xf32>
    %transpose3A_53 = tpu.transpose %get3A_52, [1, 0] : vector<544x64xf32> -> vector<64x544xf32>
    %swap3A_54 = arith.constant 2 : index
    %swap3A_55 = arith.constant 0 : index
    %swap3A_56 = arith.constant 0 : index
    %swap3A_57 = vector.load %arg3[%swap3A_54, %swap3A_55, %swap3A_56] : memref<4x64x8192xf32, #tpu.memory_space<vmem>>, vector<1x64x544xf32>
    %swap3A_58 = vector.shape_cast %swap3A_57 : vector<1x64x544xf32> to vector<64x544xf32>
    %swap3A_59 = vector.shape_cast %transpose3A_53 : vector<64x544xf32> to vector<1x64x544xf32>
    tpu.vector_store %arg3[%swap3A_54, %swap3A_55, %swap3A_56], %swap3A_59 {strides = array<i32>} : memref<4x64x8192xf32, #tpu.memory_space<vmem>>, vector<1x64x544xf32>,
    %broadcast_in_dim3A_60 = vector.shape_cast %transpose3A : vector<64x1xf32> to vector<64x1xf32>
    %broadcast_in_dim3A_61 = vector.broadcast %broadcast_in_dim3A_60 : vector<64x1xf32> to vector<64x8192xf32>
    %swap3A_62 = arith.constant 3 : index
    %swap3A_63 = arith.constant 0 : index
    %swap3A_64 = arith.constant 0 : index
    %swap3A_65 = vector.load %arg3[%swap3A_62, %swap3A_63, %swap3A_64] : memref<4x64x8192xf32, #tpu.memory_space<vmem>>, vector<1x64x8192xf32>
    %swap3A_66 = vector.shape_cast %swap3A_65 : vector<1x64x8192xf32> to vector<64x8192xf32>
    %swap3A_67 = vector.shape_cast %broadcast_in_dim3A_61 : vector<64x8192xf32> to vector<1x64x8192xf32>
    tpu.vector_store %arg3[%swap3A_62, %swap3A_63, %swap3A_64], %swap3A_67 {strides = array<i32>} : memref<4x64x8192xf32, #tpu.memory_space<vmem>>, vector<1x64x8192xf32>,
    %get3A_68 = arith.constant 3 : index
    %get3A_69 = arith.constant 0 : index
    %get3A_70 = arith.constant 0 : index
    %get3A_71 = vector.load %arg1[%get3A_68, %get3A_69, %get3A_70] : memref<4x544x64xf32, #tpu.memory_space<vmem>>, vector<1x544x64xf32>
    %get3A_72 = vector.shape_cast %get3A_71 : vector<1x544x64xf32> to vector<544x64xf32>
    %transpose3A_73 = tpu.transpose %get3A_72, [1, 0] : vector<544x64xf32> -> vector<64x544xf32>
    %swap3A_74 = arith.constant 3 : index
    %swap3A_75 = arith.constant 0 : index
    %swap3A_76 = arith.constant 0 : index
    %swap3A_77 = vector.load %arg3[%swap3A_74, %swap3A_75, %swap3A_76] : memref<4x64x8192xf32, #tpu.memory_space<vmem>>, vector<1x64x544xf32>
    %swap3A_78 = vector.shape_cast %swap3A_77 : vector<1x64x544xf32> to vector<64x544xf32>
    %swap3A_79 = vector.shape_cast %transpose3A_73 : vector<64x544xf32> to vector<1x64x544xf32>
    tpu.vector_store %arg3[%swap3A_74, %swap3A_75, %swap3A_76], %swap3A_79 {strides = array<i32>} : memref<4x64x8192xf32, #tpu.memory_space<vmem>>, vector<1x64x544xf32>,
    return
  }
  func.func @transform_0(%arg0: i32) -> (i32, i32, i32) {
    %c0_i32 = arith.constant 0 : i32
    %c0_i32_0 = arith.constant 0 : i32
    %c0_i32_1 = arith.constant 0 : i32
    return %arg0, %c0_i32, %c0_i32_0 : i32, i32, i32
  }
  func.func @transform_1(%arg0: i32) -> (i32, i32) {
    %c0_i32 = arith.constant 0 : i32
    %c0_i32_0 = arith.constant 0 : i32
    %c0_i32_1 = arith.constant 0 : i32
    return %c0_i32, %c0_i32_0 : i32, i32
  }
  func.func @transform_2(%arg0: i32) -> (i32, i32, i32) {
    %c0_i32 = arith.constant 0 : i32
    %c0_i32_0 = arith.constant 0 : i32
    %c0_i32_1 = arith.constant 0 : i32
    return %arg0, %c0_i32, %c0_i32_0 : i32, i32, i32
  }
}

</mosaic_0001>

<sc_bundles>
// kernel: kernel.4.cloned.1.call-start
scs
__scs_entry_jumppad:
0x0: {  	(pc) =	sbr.rel $0x88, $3  }
0x1: {  	(tag) =	ssettag $0x0;
	lr =	simm.s32 $0x1  }
0x2: {  	[smem:$0x3FA0] =	sst lr;
	_ =	strace $0xD0000000  }
0x3: {  	_ = 	snop  }
0x4: {  	_ = 	snop  }
0x5: {  	_ = 	snop  }
0x6: {  	_ = 	snop  }
0x7: {  	_ = 	snop  }
__scs_overlays_trampoline_lowered:
0x8: {  	[smem:$0x3FAF] =	sst s0  }
0x9: {  	[smem:$0x3FB0] =	sst s1  }
0xa: {  	[smem:$0x3FB1] =	sst s2  }
0xb: {  	[smem:$0x3FB2] =	sst s3  }
0xc: {  	[smem:$0x3FB3] =	sst s4  }
0xd: {  	[smem:$0x3FB4] =	sst s5  }
0xe: {  	[smem:$0x3FB5] =	sst s6  }
0xf: {  	[smem:$0x3FB6] =	sst s7  }
0x10: {  	[smem:$0x3FB7] =	sst s8  }
0x11: {  	[smem:$0x3FB8] =	sst s9;
	s0 =	simm.s32 @!p0 $0x0  }
0x12: {  	s1 =	sld [smem:$0x3F9E];
	s0 =	simm.s32 @p0 $0x1  }
0x13: {  	[smem:$0x3FB9] =	sst s0;
	s0 =	simm.s32 @!p1 $0x0  }
0x14: {  	s2 =	sld [smem:$0x3F9D];
	s0 =	simm.s32 @p1 $0x1  }
0x15: {  	[smem:$0x3FBA] =	sst s0;
	s0 =	simm.s32 @!p2 $0x0  }
0x16: {  	s3 =	sld [smem:$0x3FDB];
	s0 =	simm.s32 @p2 $0x1  }
0x17: {  	s4 =	simm.s32 $0x1BF5;
	[smem:$0x3FBC] =	sst s0  }
0x18: {  	s0 =	sld [smem:$0x3F9F];
	_ =	swait.ge [sflag:s4], $0x0  }
0x19: {  	s7 =	sld [smem:$0x3FA0]  }
0x1a: {  	s8 =	sadd.s32 $0xFFFFE003, lr  }
0x1b: {  	s9 =	sadd.s32 $0xFFFFFEF7, lr;
	s5 =	simm.s32 $0xFFFFFFFF;
	p2 =	slt.u32 s8, $0xFFFFF086  }
0x1c: {  	p1 =	slt.u32 s9, $0xF7A;
	s5 =	simm.s32 @!p2 $0x0  }
0x1d: {  	s5 =	simm.s32 @p1 $0x1;
	p0 =	seq.s32 s7, s2  }
0x1e: {  	s7 =	smul.u32 @!p0 $0xF7A, s2;
	p2 =	seq.s32 @!p0 s5, $0x0  }
0x1f: {  	s9 =	smul.u32 $0xF7A, s1;
	s8 =	simm.s32 @!p0 $0x1BF5;
	p2 =	por !p2, p0  }
0x20: {  	[sflag:s8] =	ssyncset.s32 @!p0 $0xFFFFF086;
	s6 =	sadd.s32 @!p0 s3, s7;
	s7 =	simm.s32 @!p0 $0x108  }
0x21: {  	s3 =	sadd.s32 s3, s9;
	s6 =	sadd.s32 @!p0 $0x88, s6;
	s7 =	simm.s32 @p2 $0x1082  }
0x22: {  	[simem:s7], [sflag:s8] =	dma.local @!p0 [hbm:s6], $0xF7A  }
0x23: {  	s9 =	sor.u32 $0xD0000000, s2;
	s6 =	simm.s32 $0x108;
	_ =	swait.ge @!p0 [sflag:s8], $0x0  }
0x24: {  	s3 =	sadd.s32 $0x88, s3;
	s6 =	simm.s32 @!p1 $0x1082;
	[sflag:s4] =	ssyncset.s32 $0xFFFFF086  }
0x25: {  	[simem:s6], [sflag:s4] =	dma.local [hbm:s3], $0xF7A  }
0x26: {  	[smem:$0x3FA0] =	sst s1;
	(tag) =	ssettag s2;
	_ =	strace s9  }
0x27: {  	s1 =	sld [smem:$0x3FB0]  }
0x28: {  	s2 =	sld [smem:$0x3FB1]  }
0x29: {  	s4 =	sld [smem:$0x3FB3]  }
0x2a: {  	p0 =	seq.s32 s5, $0x0;
	s5 =	sld [smem:$0x3FB4]  }
0x2b: {  	s6 =	sld [smem:$0x3FB5]  }
0x2c: {  	s7 =	sld [smem:$0x3FB6]  }
0x2d: {  	s3 =	simm.s32 $0x108;
	s8 =	sld [smem:$0x3FB7]  }
0x2e: {  	s3 =	simm.s32 @!p0 $0x1082;
	s9 =	sld [smem:$0x3FB8]  }
0x2f: {  	lr =	sadd.s32 s0, s3;
	s0 =	sld [smem:$0x3FAF]  }
0x30: {  	s3 =	sld [smem:$0x3FB2]  }
0x31: {  	[smem:$0x3FBB] =	sst s10  }
0x32: {  	s10 =	sld [smem:$0x3FB9];
	_ =	sdelay $0x3  }
0x33: {  	p0 =	seq.s32 s10, $0x1;
	s10 =	sld [smem:$0x3FBB];
	_ =	sdelay $0x3  }
0x34: {  	[smem:$0x3FBB] =	sst s10  }
0x35: {  	s10 =	sld [smem:$0x3FBA];
	_ =	sdelay $0x3  }
0x36: {  	p1 =	seq.s32 s10, $0x1;
	s10 =	sld [smem:$0x3FBB];
	_ =	sdelay $0x3  }
0x37: {  	[smem:$0x3FBB] =	sst s10  }
0x38: {  	s10 =	sld [smem:$0x3FBC]  }
0x39: {  	_ = 	snop;
	(pc) =	sbr.ind lr, $3  }
0x3a: {  	_ = 	snop  }
0x3b: {  	_ = 	snop  }
0x3c: {  	p2 =	seq.s32 s10, $0x1;
	s10 =	sld [smem:$0x3FBB]  }
0x3d: {  	_ =	shalt  }
0x3e: {  	_ =	shalt  }
0x3f: {  	_ =	shalt  }
0x40: {  	_ =	shalt  }
0x41: {  	_ =	shalt  }
0x42: {  	_ =	shalt  }
0x43: {  	_ =	shalt  }
0x44: {  	_ =	shalt  }
0x45: {  	_ =	shalt  }
0x46: {  	_ =	shalt  }
0x47: {  	_ =	shalt  }
0x48: {  	_ =	shalt  }
0x49: {  	_ =	shalt  }
0x4a: {  	_ =	shalt  }
0x4b: {  	_ =	shalt  }
0x4c: {  	_ =	shalt  }
0x4d: {  	_ =	shalt  }
0x4e: {  	_ =	shalt  }
0x4f: {  	_ =	shalt  }
0x50: {  	_ =	shalt  }
0x51: {  	_ =	shalt  }
0x52: {  	_ =	shalt  }
0x53: {  	_ =	shalt  }
0x54: {  	_ =	shalt  }
0x55: {  	_ =	shalt  }
0x56: {  	_ =	shalt  }
0x57: {  	_ =	shalt  }
0x58: {  	_ =	shalt  }
0x59: {  	_ =	shalt  }
0x5a: {  	_ =	shalt  }
0x5b: {  	_ =	shalt  }
0x5c: {  	_ =	shalt  }
0x5d: {  	_ =	shalt  }
0x5e: {  	_ =	shalt  }
0x5f: {  	_ =	shalt  }
0x60: {  	_ =	shalt  }
0x61: {  	_ =	shalt  }
0x62: {  	_ =	shalt  }
0x63: {  	_ =	shalt  }
0x64: {  	_ =	shalt  }
0x65: {  	_ =	shalt  }
0x66: {  	_ =	shalt  }
0x67: {  	_ =	shalt  }
0x68: {  	_ =	shalt  }
0x69: {  	_ =	shalt  }
0x6a: {  	_ =	shalt  }
0x6b: {  	_ =	shalt  }
0x6c: {  	_ =	shalt  }
0x6d: {  	_ =	shalt  }
0x6e: {  	_ =	shalt  }
0x6f: {  	_ =	shalt  }
0x70: {  	_ =	shalt  }
0x71: {  	_ =	shalt  }
0x72: {  	_ =	shalt  }
0x73: {  	_ =	shalt  }
0x74: {  	_ =	shalt  }
0x75: {  	_ =	shalt  }
0x76: {  	_ =	shalt  }
0x77: {  	_ =	shalt  }
0x78: {  	_ =	shalt  }
0x79: {  	_ =	shalt  }
0x7a: {  	_ =	shalt  }
0x7b: {  	_ =	shalt  }
0x7c: {  	_ =	shalt  }
0x7d: {  	_ =	shalt  }
0x7e: {  	_ =	shalt  }
0x7f: {  	_ =	shalt  }
0x80: {  	_ =	shalt  }
0x81: {  	_ =	shalt  }
0x82: {  	_ =	shalt  }
0x83: {  	_ =	shalt  }
0x84: {  	_ =	shalt  }
0x85: {  	_ =	shalt  }
0x86: {  	_ =	shalt  }
0x87: {  	_ =	shalt  }
.Lfunc_end0:
.L_simem_size_0:
called_computation_lowered:
.L_overlay_start_0:
0x88: {  	s2 =	sld [smem:$0x3FD9]  }
0x89: {  	s3 =	sld [smem:$0x3FFE];
	_ =	sdelay $0x1  }
0x8a: {  	s1 =	srdreg.scid  }
0x8b: {  	s0 =	sand.u32 $0x1, s1  }
0x8c: {  	s17 =	sshll.u32 s0, $0xA;
	s2 =	sadd.s32 s3, s2  }
0x8d: {  	s2 =	sadd.s32 s2, s17  }
0x8e: {  	[smem:$0x3FC7] =	sst s2  }
0x8f: {  	_ = 	snop  }
0x90: {  	s2 =	sld [smem:$0x3FD0];
	(tm) =	ssettm $0x1  }
0x91: {  	s18 =	sld [smem:$0x3FFB];
	_ =	sdelay $0x3  }
0x92: {  	_ =	strace s18  }
0x93: {  	s3 =	sld [smem:$0x3FFC];
	_ =	sdelay $0x3  }
0x94: {  	_ =	strace s3  }
0x95: {  	s3 =	sld [smem:$0x3FFD];
	_ =	sdelay $0x3  }
0x96: {  	_ =	strace s3  }
0x97: {  	_ =	strace $0x8FFFFFFF  }
0x98: {  	s19 =	sld [smem:$0x3FDB];
	_ =	sdelay $0x1  }
0x99: {  	s4 =	simm.s32 $_scs_section_size  }
0x9a: {  	s5 =	simm.s32 $_size__tile_overlayer_lowered;
	s6 =	simm.s32 $_tile_overlayer_lowered  }
0x9b: {  	s22 =	simm.s32 $0x1BFF;
	s21 =	sshll.u32 s6, $0x1;
	s3 =	sadd.s32 s4, s19  }
0x9c: {  	s7 =	simm.s32 $0x0;
	s20 =	sshll.u32 s5, $0x1;
	s5 =	sadd.s32 s21, s3  }
0x9d: {  	[timem:s7], [sflag:s22] =	dma.local [hbm:s5], s20  }
0x9e: {  	_ =	swait.ge [sflag:s22], s20  }
0x9f: {  	s4 =	ssub.s32 $0x0, s20;
	[sflag:s22] =	ssyncset.done $0x0  }
0xa0: {  	[sflag:s22] =	ssyncadd.s32 s4;
	_ =	sdelay $0x1  }
0xa1: {  	s23 =	simm.s32 $0x1B8B  }
0xa2: {  	_ =	swait.ge [sflag:s23], $0x1  }
0xa3: {  	[sflag:s23] =	ssyncset.done $0x0  }
0xa4: {  	s25 =	simm.s32 $0x1B8E;
	s24 =	sld [smem:$0x3FFE];
	[sflag:s23] =	ssyncadd.s32 $0xFFFFFFFF  }
0xa5: {  	s26 =	simm.s32 $execute0_lowered;
	[smem:$0x3FD2] =	sst s25  }
0xa6: {  	s5 =	sshll.u32 s26, $0x1;
	_ =	strace $0x80000046;
	[dreg:$0x1] =	wrdreg $0xFFFFFFFF  }
0xa7: {  	s28 =	simm.s32 $_size_execute0_lowered;
	s3 =	sadd.s32 s3, s5;
	[dreg:$0x0] =	wrdreg $0x0  }
0xa8: {  	s5 =	sshll.u32 s28, $0x1;
	[dreg:$0x2] =	wrdreg s3  }
0xa9: {  	[dreg:$0x3] =	wrdreg s5  }
0xaa: {  	[dreg:$0x4] =	wrdreg $0xC0  }
0xab: {  	_ =	task [dreg:s7], $0x5FFFF  }
0xac: {  	[dreg:$0x1] =	wrdreg $0xFFFFFFFF  }
0xad: {  	[dreg:$0x0] =	wrdreg $0x60  }
0xae: {  	[dreg:$0x2] =	wrdreg s24  }
0xaf: {  	[dreg:$0x3] =	wrdreg s2  }
0xb0: {  	[dreg:$0x4] =	wrdreg $0x0  }
0xb1: {  	[dreg:$0x5] =	wrdreg $0x9  }
0xb2: {  	_ =	task.clear_ibuf [dreg:s7], $0x6FFFF;
	_ =	strace $0x90000046  }
0xb3: {  	s29 =	simm.s32 $0x9;
	_ =	strace $0x80000048  }
0xb4: {  	_ =	swait.ge [sflag:s29], $0x1  }
0xb5: {  	[sflag:s29] =	ssyncadd.s32 $0xFFFFFFFF  }
0xb6: {  	_ =	strace $0x90000048  }
0xb7: {  	_ =	sfence  }
0xb8: {  	s30 =	sld [smem:$0x0];
	_ =	sdelay $0x2  }
0xb9: {  	s31 =	sshll.u32 s1, $0xD;
	s1 =	sshrl.u32 s1, $0x2  }
0xba: {  	s3 =	sand.u32 $0x4000, s31;
	s1 =	sadd.s32 s1, s30  }
0xbb: {  	s0 =	sor.u32 s3, s0;
	s1 =	sshll.u32 s1, $0x11  }
0xbc: {  	s0 =	sor.u32 s1, s0  }
0xbd: {  	s0 =	sadd.s32 $0x8F2B, s0  }
0xbe: {  	[sflag:s0] =	ssyncadd.remote.s32 $0x1  }
0xbf: {  	_ =	sfence.sel $0xFFFF  }
0xc0: {  	[dreg:$0x0] =	wrdreg $0xFFFFFFFF;
	(pc) =	sbr.abs _section_cstart, $3  }
0xc1: {  	[dreg:$0x1] =	wrdreg $0xFFFFFFFF  }
0xc2: {  	_ =	task.clear_ibuf [dreg:s7], $0x2FFFF;
	_ =	strace $0x9FFFFFFF  }
0xc3: {  	(tm) =	ssettm $0x7FFFFFFF  }
tec
execute0_lowered:
.L_overlay_start_1:
0x0: {  	(tag) =	ssettag $0x1  }
0x1: {  	s2 =	rddreg [dreg:$0x0];
	s28 =	srdreg.scid  }
0x2: {  	s4 =	rddreg [dreg:$0x1];
	s3 =	sand.u32 $0x1, s28  }
0x3: {  	s5 =	rddreg [dreg:$0x2];
	s8 =	ssub.s32 $0x2, s3  }
0x4: {  	s0 =	rddreg [dreg:$0x3];
	s1 =	simm.s32 $0x0;
	s29 =	sshrl.u32 s8, $0x1  }
0x5: {  	s6 =	stileid.u32;
	p2 =	por $0x0, $0x0;
	s8 =	ssub.s32 s8, s29  }
0x6: {  	[smem:$0x7FF] =	sst s1;
	s7 =	sshll.u32 s6, $0x1;
	s30 =	smax.u32 s8, $0x1  }
0x7: {  	s1 =	sadd.s32 $0x4A00, s2;
	p0 =	sne.s32 s6, $0x0;
	s12 =	sadd.s32 $0xFFFFFFFF, s30  }
0x8: {  	s11 =	sadd.s32 $0x11000, s5;
	s31 =	sshll.u32 s6, $0x6;
	p3 =	sne.s32 s12, $0x0  }
.Ltmp0:
0x9: {  	s6 =	simm.s32 $0x1;
	s9 =	sor.u32 s3, s7;
	(pc) =	sbr.rel @!p3 .LBB2_3-.Ltmp0, $4  }
0xa: {  	_ =	strace $0x80000047;
	s7 =	smul.u32 $0x2200, s9;
	s10 =	sshll.u32 s9, $0x7  }
0xb: {  	s3 =	sadd.s32 $0x2600, s2;
	p1 =	sne.s32 s9, $0x0;
	s10 =	ssub.s32 s5, s10  }
0xc: {  	s2 =	sadd.s32 s4, s7;
	s10 =	sadd.s32 $0x1000, s10;
	s7 =	sshrl.u32 @!p0 s5, $0x3  }
0xd: {  	s4 =	sor.u32 $0x1C01, s31;
	s5 =	sshrl.u32 @!p1 s11, $0x3;
	s8 =	sshrl.u32 s10, $0x3  }
0xe: {  	s9 =	simm.s32 @!p0 $0x1C01;
	s10 =	simm.s32 @!p0 $0x1  }
0xf: {  	[spmem:s7], [sflag:s9] =	dma.local @!p0 [hbm:s3], $0x2400  }
0x10: {  	_ =	swait.ge @!p0 [sflag:s10], $0x2400  }
0x11: {  	[sflag:s10] =	ssyncset.done @!p0 $0x0  }
0x12: {  	[sflag:s10] =	ssyncadd.s32 @!p0 $0xFFFFDC00  }
0x13: {  	s12 =	sadd.s32 $0xFFFFFFFF, s12;
	[bflag:$0x0] =	sbarrier.arrive $0xFFFF  }
0x14: {  	[hbm:s2], [sflag:s4] =	dma.local [spmem:s8], $0x2200  }
0x15: {  	p3 =	sne.s32 s12, $0x0;
	_ =	swait.ge [sflag:s6], $0x2200  }
.Ltmp1:
0x16: {  	[sflag:s6] =	ssyncset.done $0x0;
	(pc) =	sbr.rel @!p3 .LBB2_3-.Ltmp1, $4  }
0x17: {  	s11 =	simm.s32 @!p1 $0x1;
	[sflag:s6] =	ssyncadd.s32 $0xFFFFDE00  }
0x18: {  	[hbm:s1], [sflag:s4] =	dma.local @!p1 [spmem:s5], $0x80  }
0x19: {  	_ =	swait.ge @!p1 [sflag:s11], $0x80  }
0x1a: {  	p2 =	por $0x1, $0x1;
	[sflag:s11] =	ssyncset.done @!p1 $0x0  }
.LBB2_2:
0x1b: {  	[sflag:s11] =	ssyncadd.s32 @!p1 $0xFFFFFF80  }
0x1c: {  	[spmem:s7], [sflag:s9] =	dma.local @!p0 [hbm:s3], $0x2400  }
0x1d: {  	s12 =	sadd.s32 $0xFFFFFFFF, s12;
	_ =	swait.ge @!p0 [sflag:s10], $0x2400  }
0x1e: {  	p3 =	sne.s32 s12, $0x0;
	[sflag:s10] =	ssyncset.done @!p0 $0x0  }
0x1f: {  	[sflag:s10] =	ssyncadd.s32 @!p0 $0xFFFFDC00  }
0x20: {  	[bflag:$0x0] =	sbarrier.arrive $0xFFFF  }
0x21: {  	[hbm:s2], [sflag:s4] =	dma.local [spmem:s8], $0x2200  }
0x22: {  	_ =	swait.ge [sflag:s6], $0x2200  }
.Ltmp2:
0x23: {  	[sflag:s6] =	ssyncset.done $0x0;
	(pc) =	sbr.rel @p3 .LBB2_2-.Ltmp2, $4  }
0x24: {  	[sflag:s6] =	ssyncadd.s32 $0xFFFFDE00  }
0x25: {  	[hbm:s1], [sflag:s4] =	dma.local @!p1 [spmem:s5], $0x80  }
0x26: {  	_ =	swait.ge @!p1 [sflag:s11], $0x80  }
0x27: {  	[sflag:s11] =	ssyncset.done @!p1 $0x0  }
.LBB2_3:
0x28: {  	p2 =	por p1, !p2  }
0x29: {  	s9 =	simm.s32 @!p0 $0x1C01;
	s10 =	simm.s32 @!p0 $0x1;
	[sflag:s11] =	ssyncadd.s32 @!p2 $0xFFFFFF80  }
0x2a: {  	[spmem:s7], [sflag:s9] =	dma.local @!p0 [hbm:s3], $0x2400  }
0x2b: {  	_ =	swait.ge @!p0 [sflag:s10], $0x2400  }
0x2c: {  	[sflag:s10] =	ssyncset.done @!p0 $0x0  }
0x2d: {  	[sflag:s10] =	ssyncadd.s32 @!p0 $0xFFFFDC00  }
0x2e: {  	[bflag:$0x0] =	sbarrier.arrive $0xFFFF  }
0x2f: {  	[hbm:s2], [sflag:s4] =	dma.local [spmem:s8], $0x2200  }
0x30: {  	_ =	swait.ge [sflag:s6], $0x2200  }
0x31: {  	[sflag:s6] =	ssyncset.done $0x0  }
0x32: {  	s2 =	simm.s32 @!p1 $0x1;
	[sflag:s6] =	ssyncadd.s32 $0xFFFFDE00  }
0x33: {  	[hbm:s1], [sflag:s4] =	dma.local @!p1 [spmem:s5], $0x80  }
0x34: {  	_ =	swait.ge @!p1 [sflag:s2], $0x80  }
0x35: {  	[sflag:s2] =	ssyncset.done @!p1 $0x0  }
0x36: {  	[sflag:s2] =	ssyncadd.s32 @!p1 $0xFFFFFF80  }
0x37: {  	_ =	sfence.sel $0x180000  }
0x38: {  	[bflag:$0x0] =	sbarrier.arrive $0xFFFF  }
0x39: {  	_ =	strace $0x90000047  }
0x3a: {  	s0 =	sadd.s32 @!p0 $0x100000, s0;
	[bflag:$0x2] =	sbarrier.arrive $0xFFFF  }
0x3b: {  	[sflag:s0] =	ssyncadd.tile.s32 @!p0 $0x1;
	_ =	shalt  }
.Lfunc_end2:
_tile_overlayer_lowered:
.L_overlay_start_2:
0x3c: {  	(tag) =	ssettag $0x2  }
0x3d: {  	s0 =	rddreg [dreg:$0x0];
	s2 =	stileid.u32  }
0x3e: {  	s1 =	rddreg [dreg:$0x1];
	p0 =	sne.s32 s2, $0x0  }
0x3f: {  	s3 =	rddreg [dreg:$0x2];
	[bflag:$0x3] =	sbarrier.arrive $0xFFFF;
	s2 =	simm.s32 @!p0 $0x1C01  }
0x40: {  	[timem:s3], [sflag:s2] =	dma.local @!p0 [hbm:s0], s1  }
0x41: {  	s0 =	simm.s32 @!p0 $0x1  }
0x42: {  	_ =	swait.ge @!p0 [sflag:s0], s1  }
0x43: {  	s1 =	ssub.s32 @!p0 $0x0, s1;
	[sflag:s0] =	ssyncset.done @!p0 $0x0  }
0x44: {  	[sflag:s0] =	ssyncadd.s32 @!p0 s1  }
0x45: {  	[bflag:$0x3] =	sbarrier.arrive $0xFFFF  }
0x46: {  	_ =	shalt  }

</sc_bundles>
